<compile_context>
chip_gen: v7x
topology: tpu7x:2x2x1
jax: 0.10.2.dev20260603
libtpu: 0.0.44.dev20260713+nightly
codegen_flags: <defaults>
</compile_context>

<pallas_src>
import functools

import jax
import jax.numpy as jnp
from jax import lax
from jax.experimental import pallas as pl
from jax.experimental.pallas import tpu as pltpu
from jax.experimental.pallas import tpu_sc as plsc

MASK_TOKEN_ID = 99999
NATIVE_DRAFT_LEN = 8

try:
    _info = plsc.get_sparse_core_info()
    _NC = _info.num_cores
    _NS = _info.num_subcores
except ValueError:
    _NC, _NS = 2, 16
_NW = _NC * _NS


@functools.cache
def _make_body(bsz, seqlen, hidden):
    t = seqlen + NATIVE_DRAFT_LEN - 1
    tp = (t + 7) // 8 * 8
    b_per_w = bsz // _NW
    mesh = plsc.VectorSubcoreMesh(
        core_axis_name="c",
        subcore_axis_name="s",
        num_cores=_NC,
        num_subcores=_NS,
    )
    nsem = 2 * b_per_w + 2

    @functools.partial(
        pl.kernel,
        mesh=mesh,
        out_type=jax.ShapeDtypeStruct((bsz * tp, hidden), jnp.float32),
        scratch_types=[
            pltpu.VMEM((b_per_w, seqlen), jnp.int32),
            pltpu.VMEM((b_per_w, seqlen), jnp.int32),
            pltpu.VMEM((8,), jnp.int32),
            pltpu.VMEM((b_per_w, seqlen), jnp.int32),
            pltpu.VMEM((b_per_w, 8), jnp.int32),
            pltpu.VMEM((b_per_w * seqlen, hidden), jnp.float32),
            pltpu.VMEM((8, hidden), jnp.float32),
            pltpu.VMEM_SHARED((8, hidden), jnp.float32),
            pltpu.SemaphoreType.DMA,
        ]
        + [pltpu.SemaphoreType.DMA] * nsem,
    )
    def body(
        x_hbm, table_hbm, midx_hbm, mdst_hbm, out_hbm,
        x_v, gidx_v, gidx_m, didx_v, didx_m, rows_v, mask_v, mask_s,
        xsem, *sems,
    ):
        sid = lax.axis_index("s")
        wid = sid * _NC + lax.axis_index("c")
        base = wid * b_per_w
        xcopy = pltpu.async_copy(x_hbm.at[pl.ds(base, b_per_w)], x_v, xsem)

        @pl.when(sid == 0)
        def _fetch_mask():
            pltpu.sync_copy(midx_hbm, gidx_m)
            pltpu.async_copy(
                table_hbm.at[gidx_m], mask_v, sems[b_per_w]
            ).wait()
            pltpu.sync_copy(mask_v, mask_s)

        xcopy.wait()
        for b in range(b_per_w):
            gidx_v[b, :] = x_v[b, :]
        g_tok = [
            pltpu.async_copy(
                table_hbm.at[gidx_v.at[b]],
                rows_v.at[pl.ds(b * seqlen, seqlen)],
                sems[b],
            )
            for b in range(b_per_w)
        ]
        iota = lax.iota(jnp.int32, seqlen)
        for b in range(b_per_w):
            didx_v[b, :] = (base + b) * tp + iota
        pltpu.sync_copy(mdst_hbm.at[wid], didx_m)
        plsc.subcore_barrier()

        @pl.when(sid != 0)
        def _pull_mask():
            pltpu.sync_copy(mask_s, mask_v)

        scatters = []
        for b in range(b_per_w):
            g_tok[b].wait()
            scatters.append(
                pltpu.async_copy(
                    rows_v.at[pl.ds(b * seqlen, seqlen)],
                    out_hbm.at[didx_v.at[b]],
                    sems[b_per_w + 1 + b],
                )
            )
        scatters.append(
            pltpu.async_copy(
                mask_v, out_hbm.at[didx_m.at[0]], sems[2 * b_per_w + 1]
            )
        )
        for b in range(1, b_per_w):
            scatters.append(
                pltpu.async_copy(mask_v, out_hbm.at[didx_m.at[b]], sems[b - 1])
            )
        for s in scatters:
            s.wait()

    return body


def kernel(x, emb_table):
    bsz, seqlen = x.shape
    vocab, hidden = emb_table.shape
    t = seqlen + NATIVE_DRAFT_LEN - 1
    b_per_w = bsz // _NW
    tp = (t + 7) // 8 * 8
    midx = jnp.full((8,), MASK_TOKEN_ID, dtype=jnp.int32)
    mdst = (
        jnp.arange(bsz, dtype=jnp.int32)[:, None] * tp
        + (seqlen + jnp.arange(8, dtype=jnp.int32))[None, :]
    ).reshape(_NW, b_per_w, 8)
    body = _make_body(bsz, seqlen, hidden)
    out = body(x.astype(jnp.int32), emb_table, midx, mdst)
    return out.reshape(bsz, tp, hidden)[:, :t, :]

# --- scband reference (transcript-rebuilt; emitter-appended) ---
"""Pipeline reference for scband-dflash-input-layer-83846351552860 (READ-ONLY COPY).

The authoritative reference and input builder live on the scoring server;
editing this copy changes nothing except your own understanding.
"""

import jax, jax.numpy as jnp
import numpy as np

VOCAB = 100000
HIDDEN = 2048
MASK_TOKEN_ID = 99999
NATIVE_DRAFT_LEN = 8
BSZ = 64
SEQLEN = 16


def setup_inputs(seed: int = 0) -> dict:
    key = jax.random.key(seed)
    k1, k2 = jax.random.split(key)
    x = jax.random.randint(k1, (BSZ, SEQLEN), 0, VOCAB, dtype=jnp.int32)
    emb_table = jax.random.normal(k2, (VOCAB, HIDDEN), dtype=jnp.float32)
    return {"x": x, "emb_table": emb_table}


def reference(x, emb_table):
    # DFlashInputLayer.forward: append (native_draft_len - 1) mask tokens,
    # then run embedding lookup; output cast to out_dtype (float32).
    bsz, seqlen = x.shape
    noise_mask = jnp.full((bsz, NATIVE_DRAFT_LEN - 1), MASK_TOKEN_ID, dtype=x.dtype)
    x_cat = jnp.concatenate((x, noise_mask), axis=-1)
    out = jnp.take(emb_table, x_cat, axis=0)
    return out.astype(jnp.float32)

if __name__ == "__main__":
    import jax
    _d = setup_inputs()
    print(jax.jit(kernel)(*tuple(_d.values())))

</pallas_src>

<mosaic_0001>
#map = affine_map<(d0, d1) -> (0, 0)>
#map1 = affine_map<(d0, d1) -> (0)>
#map2 = affine_map<(d0, d1) -> (0, 0, 0)>
module attributes {stable_mosaic.version = 14 : i64} {
  func.func @body(%arg0: i32, %arg1: i32, %arg2: memref<64x16xi32, #tpu.memory_space<hbm>>, %arg3: memref<100000x2048xf32, #tpu.memory_space<hbm>>, %arg4: memref<8xi32, #tpu.memory_space<hbm>>, %arg5: memref<32x2x8xi32, #tpu.memory_space<hbm>>, %arg6: memref<1536x2048xf32, #tpu.memory_space<hbm>>, %arg7: memref<2x16xi32, #tpu.memory_space<vmem>>, %arg8: memref<2x16xi32, #tpu.memory_space<vmem>>, %arg9: memref<8xi32, #tpu.memory_space<vmem>>, %arg10: memref<2x16xi32, #tpu.memory_space<vmem>>, %arg11: memref<2x8xi32, #tpu.memory_space<vmem>>, %arg12: memref<32x2048xf32, #tpu.memory_space<vmem>>, %arg13: memref<8x2048xf32, #tpu.memory_space<vmem>>, %arg14: memref<8x2048xf32, #tpu.memory_space<vmem_shared>>, %arg15: memref<!tpu.dma_semaphore, #tpu.memory_space<semaphore_mem>>, %arg16: memref<!tpu.dma_semaphore, #tpu.memory_space<semaphore_mem>>, %arg17: memref<!tpu.dma_semaphore, #tpu.memory_space<semaphore_mem>>, %arg18: memref<!tpu.dma_semaphore, #tpu.memory_space<semaphore_mem>>, %arg19: memref<!tpu.dma_semaphore, #tpu.memory_space<semaphore_mem>>, %arg20: memref<!tpu.dma_semaphore, #tpu.memory_space<semaphore_mem>>, %arg21: memref<!tpu.dma_semaphore, #tpu.memory_space<semaphore_mem>>) attributes {dimension_semantics = [#tpu.dimension_semantics<core_parallel>, #tpu.dimension_semantics<subcore_parallel>], iteration_bounds = array<i64: 2, 16>, scalar_prefetch = 0 : i64, scratch_operands = 15 : i64, tpu.core_type = #tpu.core_type<sc_vector_subcore>, window_params = [{transform_indices = #map}, {transform_indices = #map}, {transform_indices = #map1}, {transform_indices = #map2}, {transform_indices = #map}]} {
    %mul3A = arith.constant 2 : i32
    %mul3A_0 = arith.muli %arg1, %mul3A : i32
    %add3A = arith.addi %mul3A_0, %arg0 : i32
    %mul3A_1 = arith.constant 2 : i32
    %mul3A_2 = arith.muli %add3A, %mul3A_1 : i32
    %dma_start3A = arith.constant 0 : i32
    %dma_start3A_3 = tpu.memref_slice %arg2[%mul3A_2, %dma_start3A] : memref<64x16xi32, #tpu.memory_space<hbm>> -> memref<2x16xi32, #tpu.memory_space<hbm>>
    %dma_start3A_4 = arith.constant 0 : i32
    %dma_start3A_5 = tpu.memref_slice %arg2[%mul3A_2, %dma_start3A_4] : memref<64x16xi32, #tpu.memory_space<hbm>> -> memref<2x16xi32, #tpu.memory_space<hbm>>
    tpu.enqueue_dma source(%dma_start3A_5 : memref<2x16xi32, #tpu.memory_space<hbm>>) target(%arg7 : memref<2x16xi32, #tpu.memory_space<vmem>>) target_semaphore(%arg15 : memref<!tpu.dma_semaphore, #tpu.memory_space<semaphore_mem>>)
    %eq3A = arith.constant 0 : i32
    %eq3A_6 = arith.cmpi eq, %arg1, %eq3A : i32
    %convert_element_type3A = arith.extui %eq3A_6 : i1 to i32
    %cond3A = arith.constant 0 : i32
    %cond3A_7 = arith.cmpi ne, %convert_element_type3A, %cond3A : i32
    scf.if %cond3A_7 {
      "tpu.region"() ({
        %run_scoped3A = tpu.sem_alloc : memref<!tpu.dma_semaphore, #tpu.memory_space<semaphore_mem>>
        tpu.enqueue_dma source(%arg4 : memref<8xi32, #tpu.memory_space<hbm>>) target(%arg9 : memref<8xi32, #tpu.memory_space<vmem>>) target_semaphore(%run_scoped3A : memref<!tpu.dma_semaphore, #tpu.memory_space<semaphore_mem>>)
        tpu.wait_dma2 semaphore(%run_scoped3A : memref<!tpu.dma_semaphore, #tpu.memory_space<semaphore_mem>>) src(%arg4 : memref<8xi32, #tpu.memory_space<hbm>>) dst(%arg9 : memref<8xi32, #tpu.memory_space<vmem>>)
        tpu.yield
      }) : () -> ()
      %dma_start3A_167 = arith.constant 0 : i32
      %dma_start3A_168 = arith.constant 0 : i32
      %dma_start3A_169 = tpu.memref_slice %arg3[%dma_start3A_167, %dma_start3A_168] : memref<100000x2048xf32, #tpu.memory_space<hbm>> -> memref<100000x2048xf32, #tpu.memory_space<hbm>>
      tpu.enqueue_indirect_dma source(%dma_start3A_169 : memref<100000x2048xf32, #tpu.memory_space<hbm>>) target(%arg13 : memref<8x2048xf32, #tpu.memory_space<vmem>>) offsets(%arg9 : memref<8xi32, #tpu.memory_space<vmem>>) semaphore(%arg18 : memref<!tpu.dma_semaphore, #tpu.memory_space<semaphore_mem>>)
      %dma_wait3A_170 = arith.constant 0 : i32
      %dma_wait3A_171 = arith.constant 0 : i32
      %dma_wait3A_172 = tpu.memref_slice %arg3[%dma_wait3A_170, %dma_wait3A_171] : memref<100000x2048xf32, #tpu.memory_space<hbm>> -> memref<100000x2048xf32, #tpu.memory_space<hbm>>
      tpu.wait_indirect_dma semaphore(%arg18 : memref<!tpu.dma_semaphore, #tpu.memory_space<semaphore_mem>>) src(%dma_wait3A_172 : memref<100000x2048xf32, #tpu.memory_space<hbm>>) dst(%arg13 : memref<8x2048xf32, #tpu.memory_space<vmem>>)
      "tpu.region"() ({
        %run_scoped3A = tpu.sem_alloc : memref<!tpu.dma_semaphore, #tpu.memory_space<semaphore_mem>>
        tpu.enqueue_dma source(%arg13 : memref<8x2048xf32, #tpu.memory_space<vmem>>) target(%arg14 : memref<8x2048xf32, #tpu.memory_space<vmem_shared>>) target_semaphore(%run_scoped3A : memref<!tpu.dma_semaphore, #tpu.memory_space<semaphore_mem>>)
        tpu.wait_dma2 semaphore(%run_scoped3A : memref<!tpu.dma_semaphore, #tpu.memory_space<semaphore_mem>>) src(%arg13 : memref<8x2048xf32, #tpu.memory_space<vmem>>) dst(%arg14 : memref<8x2048xf32, #tpu.memory_space<vmem_shared>>)
        tpu.yield
      }) : () -> ()
    } else {
    }
    %dma_wait3A = arith.constant 0 : i32
    %dma_wait3A_8 = tpu.memref_slice %arg2[%mul3A_2, %dma_wait3A] : memref<64x16xi32, #tpu.memory_space<hbm>> -> memref<2x16xi32, #tpu.memory_space<hbm>>
    %dma_wait3A_9 = arith.constant 0 : i32
    %dma_wait3A_10 = tpu.memref_slice %arg2[%mul3A_2, %dma_wait3A_9] : memref<64x16xi32, #tpu.memory_space<hbm>> -> memref<2x16xi32, #tpu.memory_space<hbm>>
    tpu.wait_dma2 semaphore(%arg15 : memref<!tpu.dma_semaphore, #tpu.memory_space<semaphore_mem>>) src(%dma_wait3A_10 : memref<2x16xi32, #tpu.memory_space<hbm>>) dst(%arg7 : memref<2x16xi32, #tpu.memory_space<vmem>>)
    %get3A = arith.constant 0 : i32
    %get3A_11 = arith.index_cast %get3A : i32 to index
    %get3A_12 = arith.constant 0 : index
    %get3A_13 = tpu.vector_load %arg7[%get3A_11, %get3A_12] {strides = array<i32>} : memref<2x16xi32, #tpu.memory_space<vmem>>, vector<1x16xi32>,
    %get3A_14 = vector.shape_cast %get3A_13 : vector<1x16xi32> to vector<16xi32>
    %swap3A = arith.constant 0 : i32
    %swap3A_15 = arith.index_cast %swap3A : i32 to index
    %swap3A_16 = arith.constant 0 : index
    %swap3A_17 = tpu.vector_load %arg8[%swap3A_15, %swap3A_16] {strides = array<i32>} : memref<2x16xi32, #tpu.memory_space<vmem>>, vector<1x16xi32>,
    %swap3A_18 = vector.shape_cast %swap3A_17 : vector<1x16xi32> to vector<16xi32>
    %swap3A_19 = vector.shape_cast %get3A_14 : vector<16xi32> to vector<1x16xi32>
    tpu.vector_store %arg8[%swap3A_15, %swap3A_16], %swap3A_19 {strides = array<i32>} : memref<2x16xi32, #tpu.memory_space<vmem>>, vector<1x16xi32>,
    %get3A_20 = arith.constant 1 : i32
    %get3A_21 = arith.index_cast %get3A_20 : i32 to index
    %get3A_22 = arith.constant 0 : index
    %get3A_23 = tpu.vector_load %arg7[%get3A_21, %get3A_22] {strides = array<i32>} : memref<2x16xi32, #tpu.memory_space<vmem>>, vector<1x16xi32>,
    %get3A_24 = vector.shape_cast %get3A_23 : vector<1x16xi32> to vector<16xi32>
    %swap3A_25 = arith.constant 1 : i32
    %swap3A_26 = arith.index_cast %swap3A_25 : i32 to index
    %swap3A_27 = arith.constant 0 : index
    %swap3A_28 = tpu.vector_load %arg8[%swap3A_26, %swap3A_27] {strides = array<i32>} : memref<2x16xi32, #tpu.memory_space<vmem>>, vector<1x16xi32>,
    %swap3A_29 = vector.shape_cast %swap3A_28 : vector<1x16xi32> to vector<16xi32>
    %swap3A_30 = vector.shape_cast %get3A_24 : vector<16xi32> to vector<1x16xi32>
    tpu.vector_store %arg8[%swap3A_26, %swap3A_27], %swap3A_30 {strides = array<i32>} : memref<2x16xi32, #tpu.memory_space<vmem>>, vector<1x16xi32>,
    %dma_start3A_31 = arith.constant 0 : i32
    %dma_start3A_32 = arith.constant 0 : i32
    %dma_start3A_33 = arith.constant 0 : i32
    %dma_start3A_34 = tpu.memref_slice %arg12[%dma_start3A_32, %dma_start3A_33] : memref<32x2048xf32, #tpu.memory_space<vmem>> -> memref<16x2048xf32, #tpu.memory_space<vmem>>
    %dma_start3A_35 = arith.constant 0 : i32
    %dma_start3A_36 = tpu.memref_slice %arg8[%dma_start3A_31, %dma_start3A_35] : memref<2x16xi32, #tpu.memory_space<vmem>> -> memref<1x16xi32, #tpu.memory_space<vmem>>
    %dma_start3A_37 = tpu.memref_squeeze %dma_start3A_36 : memref<1x16xi32, #tpu.memory_space<vmem>> -> memref<16xi32, #tpu.memory_space<vmem>>
    %dma_start3A_38 = arith.constant 0 : i32
    %dma_start3A_39 = arith.constant 0 : i32
    %dma_start3A_40 = tpu.memref_slice %arg3[%dma_start3A_38, %dma_start3A_39] : memref<100000x2048xf32, #tpu.memory_space<hbm>> -> memref<100000x2048xf32, #tpu.memory_space<hbm>>
    tpu.enqueue_indirect_dma source(%dma_start3A_40 : memref<100000x2048xf32, #tpu.memory_space<hbm>>) target(%dma_start3A_34 : memref<16x2048xf32, #tpu.memory_space<vmem>>) offsets(%dma_start3A_37 : memref<16xi32, #tpu.memory_space<vmem>>) semaphore(%arg16 : memref<!tpu.dma_semaphore, #tpu.memory_space<semaphore_mem>>)
    %dma_start3A_41 = arith.constant 1 : i32
    %dma_start3A_42 = arith.constant 16 : i32
    %dma_start3A_43 = arith.constant 0 : i32
    %dma_start3A_44 = tpu.memref_slice %arg12[%dma_start3A_42, %dma_start3A_43] : memref<32x2048xf32, #tpu.memory_space<vmem>> -> memref<16x2048xf32, #tpu.memory_space<vmem>>
    %dma_start3A_45 = arith.constant 0 : i32
    %dma_start3A_46 = tpu.memref_slice %arg8[%dma_start3A_41, %dma_start3A_45] : memref<2x16xi32, #tpu.memory_space<vmem>> -> memref<1x16xi32, #tpu.memory_space<vmem>>
    %dma_start3A_47 = tpu.memref_squeeze %dma_start3A_46 : memref<1x16xi32, #tpu.memory_space<vmem>> -> memref<16xi32, #tpu.memory_space<vmem>>
    %dma_start3A_48 = arith.constant 0 : i32
    %dma_start3A_49 = arith.constant 0 : i32
    %dma_start3A_50 = tpu.memref_slice %arg3[%dma_start3A_48, %dma_start3A_49] : memref<100000x2048xf32, #tpu.memory_space<hbm>> -> memref<100000x2048xf32, #tpu.memory_space<hbm>>
    tpu.enqueue_indirect_dma source(%dma_start3A_50 : memref<100000x2048xf32, #tpu.memory_space<hbm>>) target(%dma_start3A_44 : memref<16x2048xf32, #tpu.memory_space<vmem>>) offsets(%dma_start3A_47 : memref<16xi32, #tpu.memory_space<vmem>>) semaphore(%arg17 : memref<!tpu.dma_semaphore, #tpu.memory_space<semaphore_mem>>)
    %iota3A = tpu.iota {dimensions = array<i32: 0>} : vector<16xi32>
    %add3A_51 = arith.constant 0 : i32
    %add3A_52 = arith.addi %mul3A_2, %add3A_51 : i32
    %mul3A_53 = arith.constant 24 : i32
    %mul3A_54 = arith.muli %add3A_52, %mul3A_53 : i32
    %add3A_55 = vector.broadcast %mul3A_54 : i32 to vector<16xi32>
    %add3A_56 = arith.addi %add3A_55, %iota3A : vector<16xi32>
    %swap3A_57 = arith.constant 0 : i32
    %swap3A_58 = arith.index_cast %swap3A_57 : i32 to index
    %swap3A_59 = arith.constant 0 : index
    %swap3A_60 = tpu.vector_load %arg10[%swap3A_58, %swap3A_59] {strides = array<i32>} : memref<2x16xi32, #tpu.memory_space<vmem>>, vector<1x16xi32>,
    %swap3A_61 = vector.shape_cast %swap3A_60 : vector<1x16xi32> to vector<16xi32>
    %swap3A_62 = vector.shape_cast %add3A_56 : vector<16xi32> to vector<1x16xi32>
    tpu.vector_store %arg10[%swap3A_58, %swap3A_59], %swap3A_62 {strides = array<i32>} : memref<2x16xi32, #tpu.memory_space<vmem>>, vector<1x16xi32>,
    %add3A_63 = arith.constant 1 : i32
    %add3A_64 = arith.addi %mul3A_2, %add3A_63 : i32
    %mul3A_65 = arith.constant 24 : i32
    %mul3A_66 = arith.muli %add3A_64, %mul3A_65 : i32
    %add3A_67 = vector.broadcast %mul3A_66 : i32 to vector<16xi32>
    %add3A_68 = arith.addi %add3A_67, %iota3A : vector<16xi32>
    %swap3A_69 = arith.constant 1 : i32
    %swap3A_70 = arith.index_cast %swap3A_69 : i32 to index
    %swap3A_71 = arith.constant 0 : index
    %swap3A_72 = tpu.vector_load %arg10[%swap3A_70, %swap3A_71] {strides = array<i32>} : memref<2x16xi32, #tpu.memory_space<vmem>>, vector<1x16xi32>,
    %swap3A_73 = vector.shape_cast %swap3A_72 : vector<1x16xi32> to vector<16xi32>
    %swap3A_74 = vector.shape_cast %add3A_68 : vector<16xi32> to vector<1x16xi32>
    tpu.vector_store %arg10[%swap3A_70, %swap3A_71], %swap3A_74 {strides = array<i32>} : memref<2x16xi32, #tpu.memory_space<vmem>>, vector<1x16xi32>,
    "tpu.region"() ({
      %run_scoped3A = tpu.sem_alloc : memref<!tpu.dma_semaphore, #tpu.memory_space<semaphore_mem>>
      %dma_start3A_167 = arith.constant 0 : i32
      %dma_start3A_168 = arith.constant 0 : i32
      %dma_start3A_169 = tpu.memref_slice %arg5[%add3A, %dma_start3A_167, %dma_start3A_168] : memref<32x2x8xi32, #tpu.memory_space<hbm>> -> memref<1x2x8xi32, #tpu.memory_space<hbm>>
      %dma_start3A_170 = tpu.memref_squeeze %dma_start3A_169 : memref<1x2x8xi32, #tpu.memory_space<hbm>> -> memref<2x8xi32, #tpu.memory_space<hbm>>
      %dma_start3A_171 = arith.constant 0 : i32
      %dma_start3A_172 = arith.constant 0 : i32
      %dma_start3A_173 = tpu.memref_slice %arg5[%add3A, %dma_start3A_171, %dma_start3A_172] : memref<32x2x8xi32, #tpu.memory_space<hbm>> -> memref<1x2x8xi32, #tpu.memory_space<hbm>>
      %dma_start3A_174 = tpu.memref_squeeze %dma_start3A_173 : memref<1x2x8xi32, #tpu.memory_space<hbm>> -> memref<2x8xi32, #tpu.memory_space<hbm>>
      tpu.enqueue_dma source(%dma_start3A_174 : memref<2x8xi32, #tpu.memory_space<hbm>>) target(%arg11 : memref<2x8xi32, #tpu.memory_space<vmem>>) target_semaphore(%run_scoped3A : memref<!tpu.dma_semaphore, #tpu.memory_space<semaphore_mem>>)
      %dma_wait3A_175 = arith.constant 0 : i32
      %dma_wait3A_176 = arith.constant 0 : i32
      %dma_wait3A_177 = tpu.memref_slice %arg5[%add3A, %dma_wait3A_175, %dma_wait3A_176] : memref<32x2x8xi32, #tpu.memory_space<hbm>> -> memref<1x2x8xi32, #tpu.memory_space<hbm>>
      %dma_wait3A_178 = tpu.memref_squeeze %dma_wait3A_177 : memref<1x2x8xi32, #tpu.memory_space<hbm>> -> memref<2x8xi32, #tpu.memory_space<hbm>>
      %dma_wait3A_179 = arith.constant 0 : i32
      %dma_wait3A_180 = arith.constant 0 : i32
      %dma_wait3A_181 = tpu.memref_slice %arg5[%add3A, %dma_wait3A_179, %dma_wait3A_180] : memref<32x2x8xi32, #tpu.memory_space<hbm>> -> memref<1x2x8xi32, #tpu.memory_space<hbm>>
      %dma_wait3A_182 = tpu.memref_squeeze %dma_wait3A_181 : memref<1x2x8xi32, #tpu.memory_space<hbm>> -> memref<2x8xi32, #tpu.memory_space<hbm>>
      tpu.wait_dma2 semaphore(%run_scoped3A : memref<!tpu.dma_semaphore, #tpu.memory_space<semaphore_mem>>) src(%dma_wait3A_182 : memref<2x8xi32, #tpu.memory_space<hbm>>) dst(%arg11 : memref<2x8xi32, #tpu.memory_space<vmem>>)
      tpu.yield
    }) : () -> ()
    %barrier3A = arith.constant 0 : index
    tpu.barrier barrier_id(%barrier3A)
    %ne3A = arith.constant 0 : i32
    %ne3A_75 = arith.cmpi ne, %arg1, %ne3A : i32
    %convert_element_type3A_76 = arith.extui %ne3A_75 : i1 to i32
    %cond3A_77 = arith.constant 0 : i32
    %cond3A_78 = arith.cmpi ne, %convert_element_type3A_76, %cond3A_77 : i32
    scf.if %cond3A_78 {
      "tpu.region"() ({
        %run_scoped3A = tpu.sem_alloc : memref<!tpu.dma_semaphore, #tpu.memory_space<semaphore_mem>>
        tpu.enqueue_dma source(%arg14 : memref<8x2048xf32, #tpu.memory_space<vmem_shared>>) target(%arg13 : memref<8x2048xf32, #tpu.memory_space<vmem>>) target_semaphore(%run_scoped3A : memref<!tpu.dma_semaphore, #tpu.memory_space<semaphore_mem>>)
        tpu.wait_dma2 semaphore(%run_scoped3A : memref<!tpu.dma_semaphore, #tpu.memory_space<semaphore_mem>>) src(%arg14 : memref<8x2048xf32, #tpu.memory_space<vmem_shared>>) dst(%arg13 : memref<8x2048xf32, #tpu.memory_space<vmem>>)
        tpu.yield
      }) : () -> ()
    } else {
    }
    %dma_wait3A_79 = arith.constant 0 : i32
    %dma_wait3A_80 = arith.constant 0 : i32
    %dma_wait3A_81 = arith.constant 0 : i32
    %dma_wait3A_82 = tpu.memref_slice %arg12[%dma_wait3A_80, %dma_wait3A_81] : memref<32x2048xf32, #tpu.memory_space<vmem>> -> memref<16x2048xf32, #tpu.memory_space<vmem>>
    %dma_wait3A_83 = arith.constant 0 : i32
    %dma_wait3A_84 = tpu.memref_slice %arg8[%dma_wait3A_79, %dma_wait3A_83] : memref<2x16xi32, #tpu.memory_space<vmem>> -> memref<1x16xi32, #tpu.memory_space<vmem>>
    %dma_wait3A_85 = tpu.memref_squeeze %dma_wait3A_84 : memref<1x16xi32, #tpu.memory_space<vmem>> -> memref<16xi32, #tpu.memory_space<vmem>>
    %dma_wait3A_86 = arith.constant 0 : i32
    %dma_wait3A_87 = arith.constant 0 : i32
    %dma_wait3A_88 = tpu.memref_slice %arg3[%dma_wait3A_86, %dma_wait3A_87] : memref<100000x2048xf32, #tpu.memory_space<hbm>> -> memref<100000x2048xf32, #tpu.memory_space<hbm>>
    tpu.wait_indirect_dma semaphore(%arg16 : memref<!tpu.dma_semaphore, #tpu.memory_space<semaphore_mem>>) src(%dma_wait3A_88 : memref<100000x2048xf32, #tpu.memory_space<hbm>>) dst(%dma_wait3A_82 : memref<16x2048xf32, #tpu.memory_space<vmem>>)
    %dma_start3A_89 = arith.constant 0 : i32
    %dma_start3A_90 = arith.constant 0 : i32
    %dma_start3A_91 = arith.constant 0 : i32
    %dma_start3A_92 = tpu.memref_slice %arg12[%dma_start3A_90, %dma_start3A_91] : memref<32x2048xf32, #tpu.memory_space<vmem>> -> memref<16x2048xf32, #tpu.memory_space<vmem>>
    %dma_start3A_93 = arith.constant 0 : i32
    %dma_start3A_94 = tpu.memref_slice %arg10[%dma_start3A_89, %dma_start3A_93] : memref<2x16xi32, #tpu.memory_space<vmem>> -> memref<1x16xi32, #tpu.memory_space<vmem>>
    %dma_start3A_95 = tpu.memref_squeeze %dma_start3A_94 : memref<1x16xi32, #tpu.memory_space<vmem>> -> memref<16xi32, #tpu.memory_space<vmem>>
    %dma_start3A_96 = arith.constant 0 : i32
    %dma_start3A_97 = arith.constant 0 : i32
    %dma_start3A_98 = tpu.memref_slice %arg6[%dma_start3A_96, %dma_start3A_97] : memref<1536x2048xf32, #tpu.memory_space<hbm>> -> memref<1536x2048xf32, #tpu.memory_space<hbm>>
    tpu.enqueue_indirect_dma source(%dma_start3A_92 : memref<16x2048xf32, #tpu.memory_space<vmem>>) target(%dma_start3A_98 : memref<1536x2048xf32, #tpu.memory_space<hbm>>) offsets(%dma_start3A_95 : memref<16xi32, #tpu.memory_space<vmem>>) semaphore(%arg19 : memref<!tpu.dma_semaphore, #tpu.memory_space<semaphore_mem>>)
    %dma_wait3A_99 = arith.constant 1 : i32
    %dma_wait3A_100 = arith.constant 16 : i32
    %dma_wait3A_101 = arith.constant 0 : i32
    %dma_wait3A_102 = tpu.memref_slice %arg12[%dma_wait3A_100, %dma_wait3A_101] : memref<32x2048xf32, #tpu.memory_space<vmem>> -> memref<16x2048xf32, #tpu.memory_space<vmem>>
    %dma_wait3A_103 = arith.constant 0 : i32
    %dma_wait3A_104 = tpu.memref_slice %arg8[%dma_wait3A_99, %dma_wait3A_103] : memref<2x16xi32, #tpu.memory_space<vmem>> -> memref<1x16xi32, #tpu.memory_space<vmem>>
    %dma_wait3A_105 = tpu.memref_squeeze %dma_wait3A_104 : memref<1x16xi32, #tpu.memory_space<vmem>> -> memref<16xi32, #tpu.memory_space<vmem>>
    %dma_wait3A_106 = arith.constant 0 : i32
    %dma_wait3A_107 = arith.constant 0 : i32
    %dma_wait3A_108 = tpu.memref_slice %arg3[%dma_wait3A_106, %dma_wait3A_107] : memref<100000x2048xf32, #tpu.memory_space<hbm>> -> memref<100000x2048xf32, #tpu.memory_space<hbm>>
    tpu.wait_indirect_dma semaphore(%arg17 : memref<!tpu.dma_semaphore, #tpu.memory_space<semaphore_mem>>) src(%dma_wait3A_108 : memref<100000x2048xf32, #tpu.memory_space<hbm>>) dst(%dma_wait3A_102 : memref<16x2048xf32, #tpu.memory_space<vmem>>)
    %dma_start3A_109 = arith.constant 1 : i32
    %dma_start3A_110 = arith.constant 16 : i32
    %dma_start3A_111 = arith.constant 0 : i32
    %dma_start3A_112 = tpu.memref_slice %arg12[%dma_start3A_110, %dma_start3A_111] : memref<32x2048xf32, #tpu.memory_space<vmem>> -> memref<16x2048xf32, #tpu.memory_space<vmem>>
    %dma_start3A_113 = arith.constant 0 : i32
    %dma_start3A_114 = tpu.memref_slice %arg10[%dma_start3A_109, %dma_start3A_113] : memref<2x16xi32, #tpu.memory_space<vmem>> -> memref<1x16xi32, #tpu.memory_space<vmem>>
    %dma_start3A_115 = tpu.memref_squeeze %dma_start3A_114 : memref<1x16xi32, #tpu.memory_space<vmem>> -> memref<16xi32, #tpu.memory_space<vmem>>
    %dma_start3A_116 = arith.constant 0 : i32
    %dma_start3A_117 = arith.constant 0 : i32
    %dma_start3A_118 = tpu.memref_slice %arg6[%dma_start3A_116, %dma_start3A_117] : memref<1536x2048xf32, #tpu.memory_space<hbm>> -> memref<1536x2048xf32, #tpu.memory_space<hbm>>
    tpu.enqueue_indirect_dma source(%dma_start3A_112 : memref<16x2048xf32, #tpu.memory_space<vmem>>) target(%dma_start3A_118 : memref<1536x2048xf32, #tpu.memory_space<hbm>>) offsets(%dma_start3A_115 : memref<16xi32, #tpu.memory_space<vmem>>) semaphore(%arg20 : memref<!tpu.dma_semaphore, #tpu.memory_space<semaphore_mem>>)
    %dma_start3A_119 = arith.constant 0 : i32
    %dma_start3A_120 = arith.constant 0 : i32
    %dma_start3A_121 = tpu.memref_slice %arg11[%dma_start3A_119, %dma_start3A_120] : memref<2x8xi32, #tpu.memory_space<vmem>> -> memref<1x8xi32, #tpu.memory_space<vmem>>
    %dma_start3A_122 = tpu.memref_squeeze %dma_start3A_121 : memref<1x8xi32, #tpu.memory_space<vmem>> -> memref<8xi32, #tpu.memory_space<vmem>>
    %dma_start3A_123 = arith.constant 0 : i32
    %dma_start3A_124 = arith.constant 0 : i32
    %dma_start3A_125 = tpu.memref_slice %arg6[%dma_start3A_123, %dma_start3A_124] : memref<1536x2048xf32, #tpu.memory_space<hbm>> -> memref<1536x2048xf32, #tpu.memory_space<hbm>>
    tpu.enqueue_indirect_dma source(%arg13 : memref<8x2048xf32, #tpu.memory_space<vmem>>) target(%dma_start3A_125 : memref<1536x2048xf32, #tpu.memory_space<hbm>>) offsets(%dma_start3A_122 : memref<8xi32, #tpu.memory_space<vmem>>) semaphore(%arg21 : memref<!tpu.dma_semaphore, #tpu.memory_space<semaphore_mem>>)
    %dma_start3A_126 = arith.constant 1 : i32
    %dma_start3A_127 = arith.constant 0 : i32
    %dma_start3A_128 = tpu.memref_slice %arg11[%dma_start3A_126, %dma_start3A_127] : memref<2x8xi32, #tpu.memory_space<vmem>> -> memref<1x8xi32, #tpu.memory_space<vmem>>
    %dma_start3A_129 = tpu.memref_squeeze %dma_start3A_128 : memref<1x8xi32, #tpu.memory_space<vmem>> -> memref<8xi32, #tpu.memory_space<vmem>>
    %dma_start3A_130 = arith.constant 0 : i32
    %dma_start3A_131 = arith.constant 0 : i32
    %dma_start3A_132 = tpu.memref_slice %arg6[%dma_start3A_130, %dma_start3A_131] : memref<1536x2048xf32, #tpu.memory_space<hbm>> -> memref<1536x2048xf32, #tpu.memory_space<hbm>>
    tpu.enqueue_indirect_dma source(%arg13 : memref<8x2048xf32, #tpu.memory_space<vmem>>) target(%dma_start3A_132 : memref<1536x2048xf32, #tpu.memory_space<hbm>>) offsets(%dma_start3A_129 : memref<8xi32, #tpu.memory_space<vmem>>) semaphore(%arg16 : memref<!tpu.dma_semaphore, #tpu.memory_space<semaphore_mem>>)
    %dma_wait3A_133 = arith.constant 0 : i32
    %dma_wait3A_134 = arith.constant 0 : i32
    %dma_wait3A_135 = arith.constant 0 : i32
    %dma_wait3A_136 = tpu.memref_slice %arg12[%dma_wait3A_134, %dma_wait3A_135] : memref<32x2048xf32, #tpu.memory_space<vmem>> -> memref<16x2048xf32, #tpu.memory_space<vmem>>
    %dma_wait3A_137 = arith.constant 0 : i32
    %dma_wait3A_138 = tpu.memref_slice %arg10[%dma_wait3A_133, %dma_wait3A_137] : memref<2x16xi32, #tpu.memory_space<vmem>> -> memref<1x16xi32, #tpu.memory_space<vmem>>
    %dma_wait3A_139 = tpu.memref_squeeze %dma_wait3A_138 : memref<1x16xi32, #tpu.memory_space<vmem>> -> memref<16xi32, #tpu.memory_space<vmem>>
    %dma_wait3A_140 = arith.constant 0 : i32
    %dma_wait3A_141 = arith.constant 0 : i32
    %dma_wait3A_142 = tpu.memref_slice %arg6[%dma_wait3A_140, %dma_wait3A_141] : memref<1536x2048xf32, #tpu.memory_space<hbm>> -> memref<1536x2048xf32, #tpu.memory_space<hbm>>
    tpu.wait_indirect_dma semaphore(%arg19 : memref<!tpu.dma_semaphore, #tpu.memory_space<semaphore_mem>>) src(%dma_wait3A_136 : memref<16x2048xf32, #tpu.memory_space<vmem>>) dst(%dma_wait3A_142 : memref<1536x2048xf32, #tpu.memory_space<hbm>>)
    %dma_wait3A_143 = arith.constant 1 : i32
    %dma_wait3A_144 = arith.constant 16 : i32
    %dma_wait3A_145 = arith.constant 0 : i32
    %dma_wait3A_146 = tpu.memref_slice %arg12[%dma_wait3A_144, %dma_wait3A_145] : memref<32x2048xf32, #tpu.memory_space<vmem>> -> memref<16x2048xf32, #tpu.memory_space<vmem>>
    %dma_wait3A_147 = arith.constant 0 : i32
    %dma_wait3A_148 = tpu.memref_slice %arg10[%dma_wait3A_143, %dma_wait3A_147] : memref<2x16xi32, #tpu.memory_space<vmem>> -> memref<1x16xi32, #tpu.memory_space<vmem>>
    %dma_wait3A_149 = tpu.memref_squeeze %dma_wait3A_148 : memref<1x16xi32, #tpu.memory_space<vmem>> -> memref<16xi32, #tpu.memory_space<vmem>>
    %dma_wait3A_150 = arith.constant 0 : i32
    %dma_wait3A_151 = arith.constant 0 : i32
    %dma_wait3A_152 = tpu.memref_slice %arg6[%dma_wait3A_150, %dma_wait3A_151] : memref<1536x2048xf32, #tpu.memory_space<hbm>> -> memref<1536x2048xf32, #tpu.memory_space<hbm>>
    tpu.wait_indirect_dma semaphore(%arg20 : memref<!tpu.dma_semaphore, #tpu.memory_space<semaphore_mem>>) src(%dma_wait3A_146 : memref<16x2048xf32, #tpu.memory_space<vmem>>) dst(%dma_wait3A_152 : memref<1536x2048xf32, #tpu.memory_space<hbm>>)
    %dma_wait3A_153 = arith.constant 0 : i32
    %dma_wait3A_154 = arith.constant 0 : i32
    %dma_wait3A_155 = tpu.memref_slice %arg11[%dma_wait3A_153, %dma_wait3A_154] : memref<2x8xi32, #tpu.memory_space<vmem>> -> memref<1x8xi32, #tpu.memory_space<vmem>>
    %dma_wait3A_156 = tpu.memref_squeeze %dma_wait3A_155 : memref<1x8xi32, #tpu.memory_space<vmem>> -> memref<8xi32, #tpu.memory_space<vmem>>
    %dma_wait3A_157 = arith.constant 0 : i32
    %dma_wait3A_158 = arith.constant 0 : i32
    %dma_wait3A_159 = tpu.memref_slice %arg6[%dma_wait3A_157, %dma_wait3A_158] : memref<1536x2048xf32, #tpu.memory_space<hbm>> -> memref<1536x2048xf32, #tpu.memory_space<hbm>>
    tpu.wait_indirect_dma semaphore(%arg21 : memref<!tpu.dma_semaphore, #tpu.memory_space<semaphore_mem>>) src(%arg13 : memref<8x2048xf32, #tpu.memory_space<vmem>>) dst(%dma_wait3A_159 : memref<1536x2048xf32, #tpu.memory_space<hbm>>)
    %dma_wait3A_160 = arith.constant 1 : i32
    %dma_wait3A_161 = arith.constant 0 : i32
    %dma_wait3A_162 = tpu.memref_slice %arg11[%dma_wait3A_160, %dma_wait3A_161] : memref<2x8xi32, #tpu.memory_space<vmem>> -> memref<1x8xi32, #tpu.memory_space<vmem>>
    %dma_wait3A_163 = tpu.memref_squeeze %dma_wait3A_162 : memref<1x8xi32, #tpu.memory_space<vmem>> -> memref<8xi32, #tpu.memory_space<vmem>>
    %dma_wait3A_164 = arith.constant 0 : i32
    %dma_wait3A_165 = arith.constant 0 : i32
    %dma_wait3A_166 = tpu.memref_slice %arg6[%dma_wait3A_164, %dma_wait3A_165] : memref<1536x2048xf32, #tpu.memory_space<hbm>> -> memref<1536x2048xf32, #tpu.memory_space<hbm>>
    tpu.wait_indirect_dma semaphore(%arg16 : memref<!tpu.dma_semaphore, #tpu.memory_space<semaphore_mem>>) src(%arg13 : memref<8x2048xf32, #tpu.memory_space<vmem>>) dst(%dma_wait3A_166 : memref<1536x2048xf32, #tpu.memory_space<hbm>>)
    return
  }
}

</mosaic_0001>

<sc_bundles>
// kernel: kernel.3.cloned.1.call-start
scs
__scs_entry_jumppad:
0x0: {  	(pc) =	sbr.rel $0x88, $3  }
0x1: {  	(tag) =	ssettag $0x0;
	lr =	simm.s32 $0x1  }
0x2: {  	[smem:$0x3F9F] =	sst lr;
	_ =	strace $0xD0000000  }
0x3: {  	_ = 	snop  }
0x4: {  	_ = 	snop  }
0x5: {  	_ = 	snop  }
0x6: {  	_ = 	snop  }
0x7: {  	_ = 	snop  }
__scs_overlays_trampoline_lowered:
0x8: {  	[smem:$0x3FAE] =	sst s0  }
0x9: {  	[smem:$0x3FAF] =	sst s1  }
0xa: {  	[smem:$0x3FB0] =	sst s2  }
0xb: {  	[smem:$0x3FB1] =	sst s3  }
0xc: {  	[smem:$0x3FB2] =	sst s4  }
0xd: {  	[smem:$0x3FB3] =	sst s5  }
0xe: {  	[smem:$0x3FB4] =	sst s6  }
0xf: {  	[smem:$0x3FB5] =	sst s7  }
0x10: {  	[smem:$0x3FB6] =	sst s8  }
0x11: {  	[smem:$0x3FB7] =	sst s9;
	s0 =	simm.s32 @!p0 $0x0  }
0x12: {  	s1 =	sld [smem:$0x3F9D];
	s0 =	simm.s32 @p0 $0x1  }
0x13: {  	[smem:$0x3FB8] =	sst s0;
	s0 =	simm.s32 @!p1 $0x0  }
0x14: {  	s2 =	sld [smem:$0x3F9C];
	s0 =	simm.s32 @p1 $0x1  }
0x15: {  	[smem:$0x3FB9] =	sst s0;
	s0 =	simm.s32 @!p2 $0x0  }
0x16: {  	s3 =	sld [smem:$0x3FDB];
	s0 =	simm.s32 @p2 $0x1  }
0x17: {  	s4 =	simm.s32 $0x1BF5;
	[smem:$0x3FBB] =	sst s0  }
0x18: {  	s0 =	sld [smem:$0x3F9E];
	_ =	swait.ge [sflag:s4], $0x0  }
0x19: {  	s7 =	sld [smem:$0x3F9F]  }
0x1a: {  	s8 =	sadd.s32 $0xFFFFE003, lr  }
0x1b: {  	s9 =	sadd.s32 $0xFFFFFEF7, lr;
	s5 =	simm.s32 $0xFFFFFFFF;
	p2 =	slt.u32 s8, $0xFFFFF086  }
0x1c: {  	p1 =	slt.u32 s9, $0xF7A;
	s5 =	simm.s32 @!p2 $0x0  }
0x1d: {  	s5 =	simm.s32 @p1 $0x1;
	p0 =	seq.s32 s7, s2  }
0x1e: {  	s7 =	smul.u32 @!p0 $0xF7A, s2;
	p2 =	seq.s32 @!p0 s5, $0x0  }
0x1f: {  	s9 =	smul.u32 $0xF7A, s1;
	s8 =	simm.s32 @!p0 $0x1BF5;
	p2 =	por !p2, p0  }
0x20: {  	[sflag:s8] =	ssyncset.s32 @!p0 $0xFFFFF086;
	s6 =	sadd.s32 @!p0 s3, s7;
	s7 =	simm.s32 @!p0 $0x108  }
0x21: {  	s3 =	sadd.s32 s3, s9;
	s6 =	sadd.s32 @!p0 $0x88, s6;
	s7 =	simm.s32 @p2 $0x1082  }
0x22: {  	[simem:s7], [sflag:s8] =	dma.local @!p0 [hbm:s6], $0xF7A  }
0x23: {  	s9 =	sor.u32 $0xD0000000, s2;
	s6 =	simm.s32 $0x108;
	_ =	swait.ge @!p0 [sflag:s8], $0x0  }
0x24: {  	s3 =	sadd.s32 $0x88, s3;
	s6 =	simm.s32 @!p1 $0x1082;
	[sflag:s4] =	ssyncset.s32 $0xFFFFF086  }
0x25: {  	[simem:s6], [sflag:s4] =	dma.local [hbm:s3], $0xF7A  }
0x26: {  	[smem:$0x3F9F] =	sst s1;
	(tag) =	ssettag s2;
	_ =	strace s9  }
0x27: {  	s1 =	sld [smem:$0x3FAF]  }
0x28: {  	s2 =	sld [smem:$0x3FB0]  }
0x29: {  	s4 =	sld [smem:$0x3FB2]  }
0x2a: {  	p0 =	seq.s32 s5, $0x0;
	s5 =	sld [smem:$0x3FB3]  }
0x2b: {  	s6 =	sld [smem:$0x3FB4]  }
0x2c: {  	s7 =	sld [smem:$0x3FB5]  }
0x2d: {  	s3 =	simm.s32 $0x108;
	s8 =	sld [smem:$0x3FB6]  }
0x2e: {  	s3 =	simm.s32 @!p0 $0x1082;
	s9 =	sld [smem:$0x3FB7]  }
0x2f: {  	lr =	sadd.s32 s0, s3;
	s0 =	sld [smem:$0x3FAE]  }
0x30: {  	s3 =	sld [smem:$0x3FB1]  }
0x31: {  	[smem:$0x3FBA] =	sst s10  }
0x32: {  	s10 =	sld [smem:$0x3FB8];
	_ =	sdelay $0x3  }
0x33: {  	p0 =	seq.s32 s10, $0x1;
	s10 =	sld [smem:$0x3FBA];
	_ =	sdelay $0x3  }
0x34: {  	[smem:$0x3FBA] =	sst s10  }
0x35: {  	s10 =	sld [smem:$0x3FB9];
	_ =	sdelay $0x3  }
0x36: {  	p1 =	seq.s32 s10, $0x1;
	s10 =	sld [smem:$0x3FBA];
	_ =	sdelay $0x3  }
0x37: {  	[smem:$0x3FBA] =	sst s10  }
0x38: {  	s10 =	sld [smem:$0x3FBB]  }
0x39: {  	_ = 	snop;
	(pc) =	sbr.ind lr, $3  }
0x3a: {  	_ = 	snop  }
0x3b: {  	_ = 	snop  }
0x3c: {  	p2 =	seq.s32 s10, $0x1;
	s10 =	sld [smem:$0x3FBA]  }
0x3d: {  	_ =	shalt  }
0x3e: {  	_ =	shalt  }
0x3f: {  	_ =	shalt  }
0x40: {  	_ =	shalt  }
0x41: {  	_ =	shalt  }
0x42: {  	_ =	shalt  }
0x43: {  	_ =	shalt  }
0x44: {  	_ =	shalt  }
0x45: {  	_ =	shalt  }
0x46: {  	_ =	shalt  }
0x47: {  	_ =	shalt  }
0x48: {  	_ =	shalt  }
0x49: {  	_ =	shalt  }
0x4a: {  	_ =	shalt  }
0x4b: {  	_ =	shalt  }
0x4c: {  	_ =	shalt  }
0x4d: {  	_ =	shalt  }
0x4e: {  	_ =	shalt  }
0x4f: {  	_ =	shalt  }
0x50: {  	_ =	shalt  }
0x51: {  	_ =	shalt  }
0x52: {  	_ =	shalt  }
0x53: {  	_ =	shalt  }
0x54: {  	_ =	shalt  }
0x55: {  	_ =	shalt  }
0x56: {  	_ =	shalt  }
0x57: {  	_ =	shalt  }
0x58: {  	_ =	shalt  }
0x59: {  	_ =	shalt  }
0x5a: {  	_ =	shalt  }
0x5b: {  	_ =	shalt  }
0x5c: {  	_ =	shalt  }
0x5d: {  	_ =	shalt  }
0x5e: {  	_ =	shalt  }
0x5f: {  	_ =	shalt  }
0x60: {  	_ =	shalt  }
0x61: {  	_ =	shalt  }
0x62: {  	_ =	shalt  }
0x63: {  	_ =	shalt  }
0x64: {  	_ =	shalt  }
0x65: {  	_ =	shalt  }
0x66: {  	_ =	shalt  }
0x67: {  	_ =	shalt  }
0x68: {  	_ =	shalt  }
0x69: {  	_ =	shalt  }
0x6a: {  	_ =	shalt  }
0x6b: {  	_ =	shalt  }
0x6c: {  	_ =	shalt  }
0x6d: {  	_ =	shalt  }
0x6e: {  	_ =	shalt  }
0x6f: {  	_ =	shalt  }
0x70: {  	_ =	shalt  }
0x71: {  	_ =	shalt  }
0x72: {  	_ =	shalt  }
0x73: {  	_ =	shalt  }
0x74: {  	_ =	shalt  }
0x75: {  	_ =	shalt  }
0x76: {  	_ =	shalt  }
0x77: {  	_ =	shalt  }
0x78: {  	_ =	shalt  }
0x79: {  	_ =	shalt  }
0x7a: {  	_ =	shalt  }
0x7b: {  	_ =	shalt  }
0x7c: {  	_ =	shalt  }
0x7d: {  	_ =	shalt  }
0x7e: {  	_ =	shalt  }
0x7f: {  	_ =	shalt  }
0x80: {  	_ =	shalt  }
0x81: {  	_ =	shalt  }
0x82: {  	_ =	shalt  }
0x83: {  	_ =	shalt  }
0x84: {  	_ =	shalt  }
0x85: {  	_ =	shalt  }
0x86: {  	_ =	shalt  }
0x87: {  	_ =	shalt  }
.Lfunc_end0:
.L_simem_size_0:
called_computation_lowered:
.L_overlay_start_0:
0x88: {  	s2 =	sld [smem:$0x3FD9]  }
0x89: {  	s3 =	sld [smem:$0x3FFE];
	_ =	sdelay $0x1  }
0x8a: {  	s1 =	srdreg.scid  }
0x8b: {  	s0 =	sand.u32 $0x1, s1  }
0x8c: {  	s17 =	sshll.u32 s0, $0xA;
	s2 =	sadd.s32 s3, s2  }
0x8d: {  	s2 =	sadd.s32 s2, s17  }
0x8e: {  	[smem:$0x3FC6] =	sst s2  }
0x8f: {  	_ = 	snop  }
0x90: {  	s2 =	sld [smem:$0x3FC8]  }
0x91: {  	s18 =	sld [smem:$0x3FD0];
	(tm) =	ssettm $0x1  }
0x92: {  	s4 =	sld [smem:$0x3FFB];
	_ =	sdelay $0x3  }
0x93: {  	_ =	strace s4  }
0x94: {  	s4 =	sld [smem:$0x3FFC];
	_ =	sdelay $0x3  }
0x95: {  	_ =	strace s4  }
0x96: {  	s4 =	sld [smem:$0x3FFD];
	_ =	sdelay $0x3  }
0x97: {  	_ =	strace s4  }
0x98: {  	_ =	strace $0x8FFFFFFF  }
0x99: {  	s19 =	sld [smem:$0x3FDB];
	_ =	sdelay $0x1  }
0x9a: {  	s5 =	simm.s32 $_scs_section_size  }
0x9b: {  	s6 =	simm.s32 $_size__tile_overlayer_lowered;
	s7 =	simm.s32 $_tile_overlayer_lowered  }
0x9c: {  	s22 =	simm.s32 $0x1BFF;
	s21 =	sshll.u32 s7, $0x1;
	s4 =	sadd.s32 s5, s19  }
0x9d: {  	s8 =	simm.s32 $0x0;
	s20 =	sshll.u32 s6, $0x1;
	s6 =	sadd.s32 s21, s4  }
0x9e: {  	[timem:s8], [sflag:s22] =	dma.local [hbm:s6], s20  }
0x9f: {  	_ =	swait.ge [sflag:s22], s20  }
0xa0: {  	s5 =	ssub.s32 $0x0, s20;
	[sflag:s22] =	ssyncset.done $0x0  }
0xa1: {  	[sflag:s22] =	ssyncadd.s32 s5;
	_ =	sdelay $0x1  }
0xa2: {  	s23 =	simm.s32 $0x1B8B  }
0xa3: {  	_ =	swait.ge [sflag:s23], $0x1  }
0xa4: {  	[sflag:s23] =	ssyncset.done $0x0  }
0xa5: {  	s25 =	simm.s32 $0x1B8E;
	s24 =	sld [smem:$0x3FFE];
	[sflag:s23] =	ssyncadd.s32 $0xFFFFFFFF  }
0xa6: {  	s26 =	simm.s32 $execute0_lowered;
	[smem:$0x3FD2] =	sst s25  }
0xa7: {  	s6 =	sshll.u32 s26, $0x1;
	_ =	strace $0x80000046;
	[dreg:$0x1] =	wrdreg $0xFFFFFFFF  }
0xa8: {  	s28 =	simm.s32 $_size_execute0_lowered;
	s4 =	sadd.s32 s4, s6;
	[dreg:$0x0] =	wrdreg $0x0  }
0xa9: {  	s6 =	sshll.u32 s28, $0x1;
	[dreg:$0x2] =	wrdreg s4  }
0xaa: {  	[dreg:$0x3] =	wrdreg s6  }
0xab: {  	[dreg:$0x4] =	wrdreg $0xC0  }
0xac: {  	_ =	task [dreg:s8], $0x5FFFF  }
0xad: {  	[dreg:$0x1] =	wrdreg $0xFFFFFFFF  }
0xae: {  	[dreg:$0x0] =	wrdreg $0x60  }
0xaf: {  	[dreg:$0x2] =	wrdreg s18  }
0xb0: {  	[dreg:$0x3] =	wrdreg s2  }
0xb1: {  	[dreg:$0x4] =	wrdreg s24  }
0xb2: {  	[dreg:$0x5] =	wrdreg $0x144800  }
0xb3: {  	[dreg:$0x6] =	wrdreg $0x9  }
0xb4: {  	_ =	task.clear_ibuf [dreg:s8], $0x7FFFF;
	_ =	strace $0x90000046  }
0xb5: {  	s29 =	simm.s32 $0x9;
	_ =	strace $0x80000048  }
0xb6: {  	_ =	swait.ge [sflag:s29], $0x1  }
0xb7: {  	[sflag:s29] =	ssyncadd.s32 $0xFFFFFFFF  }
0xb8: {  	_ =	strace $0x90000048  }
0xb9: {  	_ =	sfence  }
0xba: {  	s30 =	sld [smem:$0x0];
	_ =	sdelay $0x2  }
0xbb: {  	s31 =	sshll.u32 s1, $0xD;
	s1 =	sshrl.u32 s1, $0x2  }
0xbc: {  	s3 =	sand.u32 $0x4000, s31;
	s1 =	sadd.s32 s1, s30  }
0xbd: {  	s0 =	sor.u32 s3, s0;
	s1 =	sshll.u32 s1, $0x11  }
0xbe: {  	s0 =	sor.u32 s1, s0  }
0xbf: {  	s0 =	sadd.s32 $0x8F2B, s0  }
0xc0: {  	[sflag:s0] =	ssyncadd.remote.s32 $0x1  }
0xc1: {  	_ =	sfence.sel $0xFFFF  }
0xc2: {  	[dreg:$0x0] =	wrdreg $0xFFFFFFFF;
	(pc) =	sbr.abs _section_cstart, $3  }
0xc3: {  	[dreg:$0x1] =	wrdreg $0xFFFFFFFF  }
0xc4: {  	_ =	task.clear_ibuf [dreg:s8], $0x2FFFF;
	_ =	strace $0x9FFFFFFF  }
0xc5: {  	(tm) =	ssettm $0x7FFFFFFF  }
tec
execute0_lowered:
.L_overlay_start_1:
0x0: {  	(tag) =	ssettag $0x1  }
0x1: {  	s0 =	rddreg [dreg:$0x0]  }
0x2: {  	s1 =	rddreg [dreg:$0x1]  }
0x3: {  	s2 =	rddreg [dreg:$0x2]  }
0x4: {  	s4 =	srdreg.scid;
	s20 =	stileid.u32  }
0x5: {  	s3 =	simm.s32 $0x0;
	s31 =	simm.s32 $0x380;
	s28 =	simm.s32 $0x1480  }
0x6: {  	s30 =	simm.s32 $0x2480;
	s29 =	simm.s32 $0x3480;
	s4 =	sand.u32 $0x1, s4  }
0x7: {  	s5 =	sshll.u32 s20, $0x1;
	[smem:$0x7FF] =	sst s3;
	s15 =	sadd.s32 $0x800, s2  }
0x8: {  	s17 =	sadd.s32 $0x100, s1;
	_ =	strace $0x80000047;
	[dreg:$0x5] =	wrdreg s15  }
0x9: {  	s18 =	sadd.s32 $0x200, s1;
	s21 =	sadd.s32 $0x300, s1;
	[dreg:$0x9] =	wrdreg s17  }
0xa: {  	s22 =	sadd.s32 $0x400, s1;
	s23 =	sadd.s32 $0x500, s1;
	[dreg:$0xa] =	wrdreg s18  }
0xb: {  	s24 =	sadd.s32 $0x600, s1;
	s25 =	sadd.s32 $0x700, s1;
	[dreg:$0xb] =	wrdreg s21  }
0xc: {  	s13 =	sadd.s32 $0xC00, s2;
	s14 =	sadd.s32 $0xD00, s2;
	[dreg:$0xc] =	wrdreg s22  }
0xd: {  	p0 =	sne.s32 s20, $0x0;
	p1 =	seq.s32 s20, $0x0;
	[dreg:$0xd] =	wrdreg s23  }
0xe: {  	s8 =	sor.u32 s4, s5;
	s16 =	ssub.s32 $0x2, s4;
	[dreg:$0xe] =	wrdreg s24  }
0xf: {  	s4 =	sadd.s32 $0xA00, s2;
	[dreg:$0xf] =	wrdreg s25;
	s15 =	sadd.s32 $0xE00, s2  }
0x10: {  	s17 =	sadd.s32 $0x1000, s2;
	s18 =	sadd.s32 $0x1100, s2;
	[dreg:$0x8] =	wrdreg s31  }
0x11: {  	s6 =	sshll.u32 s8, $0x5;
	s7 =	sshrl.u32 s16, $0x1;
	s21 =	smul.u32 $0x30, s8  }
0x12: {  	v4 =	vlaneseq.u32;
	s12 =	sadd.s32 s6, s2;
	s0 =	sadd.s32 s0, s6;
	s19 =	ssub.s32 s16, s7  }
0x13: {  	vm1 =	vmmov $0xffff;
	v3 =	vshrl.u32 v4, $0x3;
	s16 =	sadd.s32 $0xF00, s2;
	[dreg:$0x6] =	wrdreg s0;
	s22 =	sadd.s32 $0x18, s21  }
0x14: {  	v2 =	vand.u32 $0x7, v4;
	vm0 =	vmmov @!p0 $0xffff;
	v3 =	vmul.u32 $0x8, v3;
	s26 =	sadd.s32 $0x400, s12;
	s12 =	sadd.s32 $0xB00, s2;
	s19 =	smax.u32 s19, $0x1  }
0x15: {  	v0 =	vor.u32 s21, v4;
	s21 =	simm.s32 $0x4480;
	[dreg:$0x7] =	wrdreg s26;
	v1 =	vadd.s32 s22, v4;
	v4 =	vor.u32 $0x8, v4;
	s26 =	simm.s32 $0xC80  }
.LBB2_1:
0x16: {  	s22 =	rddreg [dreg:$0x6]  }
0x17: {  	[tilespmem:s3], [sflag:$0x1] =	stream.linear.gather [hbm4b:s22+s3], $0x100, $0x38;
	[tilespmem:$0x14880] =	vst v63  }
0x18: {  	s23 =	rddreg [dreg:$0x5];
	s24 =	simm.s32 @!p0 $0x200;
	s22 =	simm.s32 @!p0 $0x0  }
0x19: {  	[tilespmem:s24], [sflag:$0x8] =	stream.linear.gather @!p0 [hbm4b:s23+s22], $0x80, $0x38;
	[tilespmem:$0x14880] =	vst v63  }
0x1a: {  	s23 =	simm.s32 @!p0 $0x8  }
0x1b: {  	_ =	swait.ge @!p0 [sflag:s23], $0x80  }
0x1c: {  	[sflag:s23] =	ssyncset.done @!p0 $0x0  }
0x1d: {  	[sflag:s23] =	ssyncadd.s32 @!p0 $0xFFFFFF80  }
0x1e: {  	v5 =	vld.msk @!p0 [tilespmem:$0x200], $0xff;
	_ =	sdelay $0x4  }
0x1f: {  	v6 =	vshll.u32 @!p0 v5, $0x4  }
0x20: {  	v7 =	vlaneseq.u32 @!p0;
	v5 =	vand.u32 @!p0 $0x7, v5;
	v6 =	vand.u32 @!p0 $0xFFFFFF80, v6  }
0x21: {  	v5 =	vor.u32 @!p0 v5, v6;
	v6 =	vand.u32 @!p0 $0x7, v7;
	v7 =	vshrl.u32 @!p0 v7, $0x3  }
0x22: {  	v5 =	vperm.xlane @!p0 v5, v6;
	v6 =	vmul.u32 @!p0 $0x8, v7;
	_ =	sdelay $0x1  }
0x23: {  	v5 =	vadd.s32 @!p0 v6, v5;
	_ =	sdelay $0x3  }
0x24: {  	s24 =	simm.s32 @!p0 $0x10480;
	s31 =	rddreg [dreg:$0x1]  }
0x25: {  	[tilespmem:s24], [sflag:$0x4] =	stream.indirect_vreg.gather @!p0 [hbm4b:s31+s22], $0x80, v5, vm0, $0xb8;
	[tilespmem:$0x14880] =	vst v63  }
0x26: {  	s25 =	simm.s32 @!p0 $0x10C80;
	s6 =	rddreg [dreg:$0x9]  }
0x27: {  	[tilespmem:s25], [sflag:$0x4] =	stream.indirect_vreg.gather @!p0 [hbm4b:s6+s22], $0x80, v5, vm0, $0xb8;
	[tilespmem:$0x14880] =	vst v63  }
0x28: {  	s7 =	rddreg [dreg:$0xa];
	s25 =	simm.s32 @!p0 $0x11480  }
0x29: {  	[tilespmem:s25], [sflag:$0x4] =	stream.indirect_vreg.gather @!p0 [hbm4b:s7+s22], $0x80, v5, vm0, $0xb8;
	[tilespmem:$0x14880] =	vst v63  }
0x2a: {  	s8 =	rddreg [dreg:$0xb];
	s25 =	simm.s32 @!p0 $0x11C80  }
0x2b: {  	[tilespmem:s25], [sflag:$0x4] =	stream.indirect_vreg.gather @!p0 [hbm4b:s8+s22], $0x80, v5, vm0, $0xb8;
	[tilespmem:$0x14880] =	vst v63  }
0x2c: {  	s9 =	rddreg [dreg:$0xc];
	s25 =	simm.s32 @!p0 $0x12480  }
0x2d: {  	[tilespmem:s25], [sflag:$0x4] =	stream.indirect_vreg.gather @!p0 [hbm4b:s9+s22], $0x80, v5, vm0, $0xb8;
	[tilespmem:$0x14880] =	vst v63  }
0x2e: {  	s10 =	rddreg [dreg:$0xd];
	s25 =	simm.s32 @!p0 $0x12C80  }
0x2f: {  	[tilespmem:s25], [sflag:$0x4] =	stream.indirect_vreg.gather @!p0 [hbm4b:s10+s22], $0x80, v5, vm0, $0xb8;
	[tilespmem:$0x14880] =	vst v63  }
0x30: {  	s11 =	rddreg [dreg:$0xe];
	s25 =	simm.s32 @!p0 $0x13480  }
0x31: {  	[tilespmem:s25], [sflag:$0x4] =	stream.indirect_vreg.gather @!p0 [hbm4b:s11+s22], $0x80, v5, vm0, $0xb8;
	[tilespmem:$0x14880] =	vst v63  }
0x32: {  	s0 =	rddreg [dreg:$0xf];
	s25 =	simm.s32 @!p0 $0x13C80  }
0x33: {  	[tilespmem:s25], [sflag:$0x4] =	stream.indirect_vreg.gather @!p0 [hbm4b:s0+s22], $0x80, v5, vm0, $0xb8;
	[tilespmem:$0x14880] =	vst v63  }
0x34: {  	s22 =	simm.s32 @!p0 $0x4  }
0x35: {  	_ =	swait.ge @!p0 [sflag:s22], $0x4000  }
0x36: {  	[sflag:s22] =	ssyncset.done @!p0 $0x0  }
0x37: {  	[sflag:s22] =	ssyncadd.s32 @!p0 $0xFFFFC000  }
0x38: {  	s25 =	rddreg [dreg:$0x3]  }
0x39: {  	[spmem:s25] =	stream.linear.scatter @!p0 [tilespmem:s24], [sflag:$0x8], $0x4000, $0x38;
	[tilespmem:$0x14880] =	vst v63  }
0x3a: {  	_ =	swait.ge @!p0 [sflag:s23], $0x4000  }
0x3b: {  	[sflag:s23] =	ssyncset.done @!p0 $0x0  }
0x3c: {  	s20 =	simm.s32 $0x1;
	[sflag:s23] =	ssyncadd.s32 @!p0 $0xFFFFC000  }
0x3d: {  	_ =	swait.ge [sflag:s20], $0x100  }
0x3e: {  	[sflag:s20] =	ssyncset.done $0x0  }
0x3f: {  	[sflag:s20] =	ssyncadd.s32 $0xFFFFFF00  }
0x40: {  	v5 =	vld [tilespmem:$0x0];
	_ =	sdelay $0x4  }
0x41: {  	v6 =	vshll.u32 v5, $0x4  }
0x42: {  	v7 =	vand.u32 $0x7, v5;
	v6 =	vand.u32 $0xFFFFFF80, v6  }
0x43: {  	v6 =	vor.u32 v7, v6  }
0x44: {  	v7 =	vperm.xlane v6, v2  }
0x45: {  	v8 =	vld [tilespmem:$0x80]  }
0x46: {  	v7 =	vadd.s32 v3, v7;
	_ =	sdelay $0x2  }
0x47: {  	[tilespmem:$0x100] =	vst v5  }
0x48: {  	s24 =	simm.s32 $0x480;
	[tilespmem:$0x180] =	vst v8  }
0x49: {  	[tilespmem:s24], [sflag:$0x2] =	stream.indirect_vreg.gather [hbm4b:s31+s3], $0x80, v7, vm1, $0xb8;
	[tilespmem:$0x14880] =	vst v63  }
0x4a: {  	_ = 	snop  }
0x4b: {  	[tilespmem:s26], [sflag:$0x2] =	stream.indirect_vreg.gather [hbm4b:s6+s3], $0x80, v7, vm1, $0xb8;
	[tilespmem:$0x14880] =	vst v63  }
0x4c: {  	_ = 	snop  }
0x4d: {  	[tilespmem:s28], [sflag:$0x2] =	stream.indirect_vreg.gather [hbm4b:s7+s3], $0x80, v7, vm1, $0xb8;
	[tilespmem:$0x14880] =	vst v63  }
0x4e: {  	s20 =	simm.s32 $0x1C80  }
0x4f: {  	[tilespmem:s20], [sflag:$0x2] =	stream.indirect_vreg.gather [hbm4b:s8+s3], $0x80, v7, vm1, $0xb8;
	[tilespmem:$0x14880] =	vst v63  }
0x50: {  	_ = 	snop  }
0x51: {  	[tilespmem:s30], [sflag:$0x2] =	stream.indirect_vreg.gather [hbm4b:s9+s3], $0x80, v7, vm1, $0xb8;
	[tilespmem:$0x14880] =	vst v63  }
0x52: {  	s25 =	simm.s32 $0x2C80;
	v5 =	vperm.xlane v6, v4  }
0x53: {  	[tilespmem:s25], [sflag:$0x2] =	stream.indirect_vreg.gather [hbm4b:s10+s3], $0x80, v7, vm1, $0xb8;
	[tilespmem:$0x14880] =	vst v63  }
0x54: {  	v5 =	vadd.s32 v3, v5  }
0x55: {  	[tilespmem:s29], [sflag:$0x2] =	stream.indirect_vreg.gather [hbm4b:s11+s3], $0x80, v7, vm1, $0xb8;
	[tilespmem:$0x14880] =	vst v63  }
0x56: {  	s2 =	simm.s32 $0x3C80  }
0x57: {  	[tilespmem:s2], [sflag:$0x2] =	stream.indirect_vreg.gather [hbm4b:s0+s3], $0x80, v7, vm1, $0xb8;
	[tilespmem:$0x14880] =	vst v63  }
0x58: {  	_ = 	snop  }
0x59: {  	[tilespmem:s21], [sflag:$0x2] =	stream.indirect_vreg.gather [hbm4b:s31+s3], $0x80, v5, vm1, $0xb8;
	[tilespmem:$0x14880] =	vst v63  }
0x5a: {  	s1 =	simm.s32 $0x4C80  }
0x5b: {  	[tilespmem:s1], [sflag:$0x2] =	stream.indirect_vreg.gather [hbm4b:s6+s3], $0x80, v5, vm1, $0xb8;
	[tilespmem:$0x14880] =	vst v63  }
0x5c: {  	s5 =	simm.s32 $0x5480  }
0x5d: {  	[tilespmem:s5], [sflag:$0x2] =	stream.indirect_vreg.gather [hbm4b:s7+s3], $0x80, v5, vm1, $0xb8;
	[tilespmem:$0x14880] =	vst v63  }
0x5e: {  	s23 =	simm.s32 $0x5C80  }
0x5f: {  	[tilespmem:s23], [sflag:$0x2] =	stream.indirect_vreg.gather [hbm4b:s8+s3], $0x80, v5, vm1, $0xb8;
	[tilespmem:$0x14880] =	vst v63  }
0x60: {  	s23 =	simm.s32 $0x6480  }
0x61: {  	[tilespmem:s23], [sflag:$0x2] =	stream.indirect_vreg.gather [hbm4b:s9+s3], $0x80, v5, vm1, $0xb8;
	[tilespmem:$0x14880] =	vst v63  }
0x62: {  	s23 =	simm.s32 $0x6C80  }
0x63: {  	[tilespmem:s23], [sflag:$0x2] =	stream.indirect_vreg.gather [hbm4b:s10+s3], $0x80, v5, vm1, $0xb8;
	[tilespmem:$0x14880] =	vst v63  }
0x64: {  	s23 =	simm.s32 $0x7480  }
0x65: {  	[tilespmem:s23], [sflag:$0x2] =	stream.indirect_vreg.gather [hbm4b:s11+s3], $0x80, v5, vm1, $0xb8;
	[tilespmem:$0x14880] =	vst v63  }
0x66: {  	s23 =	simm.s32 $0x7C80  }
0x67: {  	[tilespmem:s23], [sflag:$0x2] =	stream.indirect_vreg.gather [hbm4b:s0+s3], $0x80, v5, vm1, $0xb8;
	[tilespmem:$0x14880] =	vst v63  }
0x68: {  	v5 =	vld [tilespmem:$0x180];
	_ =	sdelay $0x4  }
0x69: {  	v6 =	vshll.u32 v5, $0x4  }
0x6a: {  	v5 =	vand.u32 $0x7, v5;
	v6 =	vand.u32 $0xFFFFFF80, v6  }
0x6b: {  	v5 =	vor.u32 v5, v6  }
0x6c: {  	v6 =	vperm.xlane v5, v2;
	_ =	sdelay $0x1  }
0x6d: {  	v6 =	vadd.s32 v3, v6;
	_ =	sdelay $0x3  }
0x6e: {  	s23 =	simm.s32 $0x8480  }
0x6f: {  	[tilespmem:s23], [sflag:$0x3] =	stream.indirect_vreg.gather [hbm4b:s31+s3], $0x80, v6, vm1, $0xb8;
	[tilespmem:$0x14880] =	vst v63  }
0x70: {  	s23 =	simm.s32 $0x8C80  }
0x71: {  	[tilespmem:s23], [sflag:$0x3] =	stream.indirect_vreg.gather [hbm4b:s6+s3], $0x80, v6, vm1, $0xb8;
	[tilespmem:$0x14880] =	vst v63  }
0x72: {  	s23 =	simm.s32 $0x9480  }
0x73: {  	[tilespmem:s23], [sflag:$0x3] =	stream.indirect_vreg.gather [hbm4b:s7+s3], $0x80, v6, vm1, $0xb8;
	[tilespmem:$0x14880] =	vst v63  }
0x74: {  	s23 =	simm.s32 $0x9C80  }
0x75: {  	[tilespmem:s23], [sflag:$0x3] =	stream.indirect_vreg.gather [hbm4b:s8+s3], $0x80, v6, vm1, $0xb8;
	[tilespmem:$0x14880] =	vst v63  }
0x76: {  	s23 =	simm.s32 $0xA480  }
0x77: {  	[tilespmem:s23], [sflag:$0x3] =	stream.indirect_vreg.gather [hbm4b:s9+s3], $0x80, v6, vm1, $0xb8;
	[tilespmem:$0x14880] =	vst v63  }
0x78: {  	v5 =	vperm.xlane v5, v4;
	s23 =	simm.s32 $0xAC80  }
0x79: {  	[tilespmem:s23], [sflag:$0x3] =	stream.indirect_vreg.gather [hbm4b:s10+s3], $0x80, v6, vm1, $0xb8;
	[tilespmem:$0x14880] =	vst v63  }
0x7a: {  	v5 =	vadd.s32 v3, v5;
	s23 =	simm.s32 $0xB480  }
0x7b: {  	[tilespmem:s23], [sflag:$0x3] =	stream.indirect_vreg.gather [hbm4b:s11+s3], $0x80, v6, vm1, $0xb8;
	[tilespmem:$0x14880] =	vst v63  }
0x7c: {  	s23 =	simm.s32 $0xBC80  }
0x7d: {  	[tilespmem:s23], [sflag:$0x3] =	stream.indirect_vreg.gather [hbm4b:s0+s3], $0x80, v6, vm1, $0xb8;
	[tilespmem:$0x14880] =	vst v63  }
0x7e: {  	s23 =	simm.s32 $0xC480  }
0x7f: {  	[tilespmem:s23], [sflag:$0x3] =	stream.indirect_vreg.gather [hbm4b:s31+s3], $0x80, v5, vm1, $0xb8;
	[tilespmem:$0x14880] =	vst v63  }
0x80: {  	s31 =	simm.s32 $0xCC80  }
0x81: {  	[tilespmem:s31], [sflag:$0x3] =	stream.indirect_vreg.gather [hbm4b:s6+s3], $0x80, v5, vm1, $0xb8;
	[tilespmem:$0x14880] =	vst v63  }
0x82: {  	s6 =	simm.s32 $0xD480  }
0x83: {  	[tilespmem:s6], [sflag:$0x3] =	stream.indirect_vreg.gather [hbm4b:s7+s3], $0x80, v5, vm1, $0xb8;
	[tilespmem:$0x14880] =	vst v63  }
0x84: {  	s7 =	simm.s32 $0xDC80  }
0x85: {  	[tilespmem:s7], [sflag:$0x3] =	stream.indirect_vreg.gather [hbm4b:s8+s3], $0x80, v5, vm1, $0xb8;
	[tilespmem:$0x14880] =	vst v63  }
0x86: {  	s8 =	simm.s32 $0xE480  }
0x87: {  	[tilespmem:s8], [sflag:$0x3] =	stream.indirect_vreg.gather [hbm4b:s9+s3], $0x80, v5, vm1, $0xb8;
	[tilespmem:$0x14880] =	vst v63  }
0x88: {  	s9 =	simm.s32 $0xEC80  }
0x89: {  	[tilespmem:s9], [sflag:$0x3] =	stream.indirect_vreg.gather [hbm4b:s10+s3], $0x80, v5, vm1, $0xb8;
	[tilespmem:$0x14880] =	vst v63  }
0x8a: {  	s10 =	simm.s32 $0xF480  }
0x8b: {  	[tilespmem:s10], [sflag:$0x3] =	stream.indirect_vreg.gather [hbm4b:s11+s3], $0x80, v5, vm1, $0xb8;
	[tilespmem:$0x14880] =	vst v63  }
0x8c: {  	s11 =	simm.s32 $0xFC80  }
0x8d: {  	[tilespmem:s11], [sflag:$0x3] =	stream.indirect_vreg.gather [hbm4b:s0+s3], $0x80, v5, vm1, $0xb8;
	[tilespmem:$0x14880] =	vst v63  }
0x8e: {  	s23 =	rddreg [dreg:$0x7];
	[tilespmem:$0x280] =	vst v0  }
0x8f: {  	s0 =	rddreg [dreg:$0x8];
	[tilespmem:$0x300] =	vst v1  }
0x90: {  	[tilespmem:s0], [sflag:$0x8] =	stream.linear.gather [hbm4b:s23+s3], $0x100, $0x38;
	[tilespmem:$0x14880] =	vst v63  }
0x91: {  	s23 =	simm.s32 $0x8  }
0x92: {  	_ =	swait.ge [sflag:s23], $0x100  }
0x93: {  	[sflag:s23] =	ssyncset.done $0x0  }
0x94: {  	[sflag:s23] =	ssyncadd.s32 $0xFFFFFF00  }
0x95: {  	[bflag:$0x0] =	sbarrier.arrive $0xFFFF  }
0x96: {  	s22 =	simm.s32 @!p1 $0x10480;
	s0 =	rddreg [dreg:$0x3]  }
0x97: {  	[tilespmem:s22], [sflag:$0x8] =	stream.linear.gather @!p1 [spmem:s0], $0x4000, $0x38;
	[tilespmem:$0x14880] =	vst v63  }
0x98: {  	s22 =	simm.s32 @!p1 $0x8  }
0x99: {  	_ =	swait.ge @!p1 [sflag:s22], $0x4000  }
0x9a: {  	[sflag:s22] =	ssyncset.done @!p1 $0x0  }
0x9b: {  	s0 =	simm.s32 $0x2;
	[sflag:s22] =	ssyncadd.s32 @!p1 $0xFFFFC000  }
0x9c: {  	_ =	swait.ge [sflag:s0], $0x8000  }
0x9d: {  	[sflag:s0] =	ssyncset.done $0x0  }
0x9e: {  	[sflag:s0] =	ssyncadd.s32 $0xFFFF8000  }
0x9f: {  	v5 =	vld [tilespmem:$0x280];
	_ =	sdelay $0x4  }
0xa0: {  	v6 =	vshll.u32 v5, $0x4  }
0xa1: {  	v5 =	vand.u32 $0x7, v5;
	v6 =	vand.u32 $0xFFFFFF80, v6  }
0xa2: {  	v5 =	vor.u32 v5, v6  }
0xa3: {  	v6 =	vperm.xlane v5, v2;
	_ =	sdelay $0x1  }
0xa4: {  	v6 =	vadd.s32 v3, v6;
	_ =	sdelay $0x4  }
0xa5: {  	[hbm4b:s4+s3] =	stream.indirect_vreg.scatter [tilespmem:s24], [sflag:$0x5], $0x80, v6, vm1, $0xb8;
	[tilespmem:$0x14880] =	vst v63  }
0xa6: {  	_ = 	snop  }
0xa7: {  	[hbm4b:s12+s3] =	stream.indirect_vreg.scatter [tilespmem:s26], [sflag:$0x5], $0x80, v6, vm1, $0xb8;
	[tilespmem:$0x14880] =	vst v63  }
0xa8: {  	_ = 	snop  }
0xa9: {  	[hbm4b:s13+s3] =	stream.indirect_vreg.scatter [tilespmem:s28], [sflag:$0x5], $0x80, v6, vm1, $0xb8;
	[tilespmem:$0x14880] =	vst v63  }
0xaa: {  	_ = 	snop  }
0xab: {  	[hbm4b:s14+s3] =	stream.indirect_vreg.scatter [tilespmem:s20], [sflag:$0x5], $0x80, v6, vm1, $0xb8;
	[tilespmem:$0x14880] =	vst v63  }
0xac: {  	_ = 	snop  }
0xad: {  	[hbm4b:s15+s3] =	stream.indirect_vreg.scatter [tilespmem:s30], [sflag:$0x5], $0x80, v6, vm1, $0xb8;
	[tilespmem:$0x14880] =	vst v63  }
0xae: {  	v5 =	vperm.xlane v5, v4  }
0xaf: {  	[hbm4b:s16+s3] =	stream.indirect_vreg.scatter [tilespmem:s25], [sflag:$0x5], $0x80, v6, vm1, $0xb8;
	[tilespmem:$0x14880] =	vst v63  }
0xb0: {  	v5 =	vadd.s32 v3, v5  }
0xb1: {  	[hbm4b:s17+s3] =	stream.indirect_vreg.scatter [tilespmem:s29], [sflag:$0x5], $0x80, v6, vm1, $0xb8;
	[tilespmem:$0x14880] =	vst v63  }
0xb2: {  	_ = 	snop  }
0xb3: {  	[hbm4b:s18+s3] =	stream.indirect_vreg.scatter [tilespmem:s2], [sflag:$0x5], $0x80, v6, vm1, $0xb8;
	[tilespmem:$0x14880] =	vst v63  }
0xb4: {  	_ = 	snop  }
0xb5: {  	[hbm4b:s4+s3] =	stream.indirect_vreg.scatter [tilespmem:s21], [sflag:$0x5], $0x80, v5, vm1, $0xb8;
	[tilespmem:$0x14880] =	vst v63  }
0xb6: {  	_ = 	snop  }
0xb7: {  	[hbm4b:s12+s3] =	stream.indirect_vreg.scatter [tilespmem:s1], [sflag:$0x5], $0x80, v5, vm1, $0xb8;
	[tilespmem:$0x14880] =	vst v63  }
0xb8: {  	_ = 	snop  }
0xb9: {  	[hbm4b:s13+s3] =	stream.indirect_vreg.scatter [tilespmem:s5], [sflag:$0x5], $0x80, v5, vm1, $0xb8;
	[tilespmem:$0x14880] =	vst v63  }
0xba: {  	s5 =	simm.s32 $0x5C80  }
0xbb: {  	[hbm4b:s14+s3] =	stream.indirect_vreg.scatter [tilespmem:s5], [sflag:$0x5], $0x80, v5, vm1, $0xb8;
	[tilespmem:$0x14880] =	vst v63  }
0xbc: {  	s20 =	simm.s32 $0x6480  }
0xbd: {  	[hbm4b:s15+s3] =	stream.indirect_vreg.scatter [tilespmem:s20], [sflag:$0x5], $0x80, v5, vm1, $0xb8;
	[tilespmem:$0x14880] =	vst v63  }
0xbe: {  	s22 =	simm.s32 $0x6C80  }
0xbf: {  	[hbm4b:s16+s3] =	stream.indirect_vreg.scatter [tilespmem:s22], [sflag:$0x5], $0x80, v5, vm1, $0xb8;
	[tilespmem:$0x14880] =	vst v63  }
0xc0: {  	s23 =	simm.s32 $0x7480  }
0xc1: {  	[hbm4b:s17+s3] =	stream.indirect_vreg.scatter [tilespmem:s23], [sflag:$0x5], $0x80, v5, vm1, $0xb8;
	[tilespmem:$0x14880] =	vst v63  }
0xc2: {  	s24 =	simm.s32 $0x7C80;
	s25 =	simm.s32 $0x3  }
0xc3: {  	[hbm4b:s18+s3] =	stream.indirect_vreg.scatter [tilespmem:s24], [sflag:$0x5], $0x80, v5, vm1, $0xb8;
	[tilespmem:$0x14880] =	vst v63  }
0xc4: {  	_ =	swait.ge [sflag:s25], $0x8000  }
0xc5: {  	[sflag:s25] =	ssyncset.done $0x0  }
0xc6: {  	[sflag:s25] =	ssyncadd.s32 $0xFFFF8000  }
0xc7: {  	v5 =	vld [tilespmem:$0x300];
	_ =	sdelay $0x4  }
0xc8: {  	v6 =	vshll.u32 v5, $0x4  }
0xc9: {  	v5 =	vand.u32 $0x7, v5;
	v6 =	vand.u32 $0xFFFFFF80, v6  }
0xca: {  	v5 =	vor.u32 v5, v6  }
0xcb: {  	v6 =	vperm.xlane v5, v2;
	_ =	sdelay $0x1  }
0xcc: {  	v6 =	vadd.s32 v3, v6;
	_ =	sdelay $0x3  }
0xcd: {  	s2 =	simm.s32 $0x8480  }
0xce: {  	[hbm4b:s4+s3] =	stream.indirect_vreg.scatter [tilespmem:s2], [sflag:$0x6], $0x80, v6, vm1, $0xb8;
	[tilespmem:$0x14880] =	vst v63  }
0xcf: {  	s5 =	simm.s32 $0x8C80  }
0xd0: {  	[hbm4b:s12+s3] =	stream.indirect_vreg.scatter [tilespmem:s5], [sflag:$0x6], $0x80, v6, vm1, $0xb8;
	[tilespmem:$0x14880] =	vst v63  }
0xd1: {  	s20 =	simm.s32 $0x9480  }
0xd2: {  	[hbm4b:s13+s3] =	stream.indirect_vreg.scatter [tilespmem:s20], [sflag:$0x6], $0x80, v6, vm1, $0xb8;
	[tilespmem:$0x14880] =	vst v63  }
0xd3: {  	s22 =	simm.s32 $0x9C80  }
0xd4: {  	[hbm4b:s14+s3] =	stream.indirect_vreg.scatter [tilespmem:s22], [sflag:$0x6], $0x80, v6, vm1, $0xb8;
	[tilespmem:$0x14880] =	vst v63  }
0xd5: {  	s23 =	simm.s32 $0xA480  }
0xd6: {  	[hbm4b:s15+s3] =	stream.indirect_vreg.scatter [tilespmem:s23], [sflag:$0x6], $0x80, v6, vm1, $0xb8;
	[tilespmem:$0x14880] =	vst v63  }
0xd7: {  	s24 =	simm.s32 $0xAC80;
	v5 =	vperm.xlane v5, v4  }
0xd8: {  	[hbm4b:s16+s3] =	stream.indirect_vreg.scatter [tilespmem:s24], [sflag:$0x6], $0x80, v6, vm1, $0xb8;
	[tilespmem:$0x14880] =	vst v63  }
0xd9: {  	s25 =	simm.s32 $0xB480;
	v5 =	vadd.s32 v3, v5  }
0xda: {  	[hbm4b:s17+s3] =	stream.indirect_vreg.scatter [tilespmem:s25], [sflag:$0x6], $0x80, v6, vm1, $0xb8;
	[tilespmem:$0x14880] =	vst v63  }
0xdb: {  	s2 =	simm.s32 $0xBC80  }
0xdc: {  	[hbm4b:s18+s3] =	stream.indirect_vreg.scatter [tilespmem:s2], [sflag:$0x6], $0x80, v6, vm1, $0xb8;
	[tilespmem:$0x14880] =	vst v63  }
0xdd: {  	s5 =	simm.s32 $0xC480  }
0xde: {  	[hbm4b:s4+s3] =	stream.indirect_vreg.scatter [tilespmem:s5], [sflag:$0x6], $0x80, v5, vm1, $0xb8;
	[tilespmem:$0x14880] =	vst v63  }
0xdf: {  	_ = 	snop  }
0xe0: {  	[hbm4b:s12+s3] =	stream.indirect_vreg.scatter [tilespmem:s31], [sflag:$0x6], $0x80, v5, vm1, $0xb8;
	[tilespmem:$0x14880] =	vst v63  }
0xe1: {  	_ = 	snop  }
0xe2: {  	[hbm4b:s13+s3] =	stream.indirect_vreg.scatter [tilespmem:s6], [sflag:$0x6], $0x80, v5, vm1, $0xb8;
	[tilespmem:$0x14880] =	vst v63  }
0xe3: {  	_ = 	snop  }
0xe4: {  	[hbm4b:s14+s3] =	stream.indirect_vreg.scatter [tilespmem:s7], [sflag:$0x6], $0x80, v5, vm1, $0xb8;
	[tilespmem:$0x14880] =	vst v63  }
0xe5: {  	_ = 	snop  }
0xe6: {  	[hbm4b:s15+s3] =	stream.indirect_vreg.scatter [tilespmem:s8], [sflag:$0x6], $0x80, v5, vm1, $0xb8;
	[tilespmem:$0x14880] =	vst v63  }
0xe7: {  	_ = 	snop  }
0xe8: {  	[hbm4b:s16+s3] =	stream.indirect_vreg.scatter [tilespmem:s9], [sflag:$0x6], $0x80, v5, vm1, $0xb8;
	[tilespmem:$0x14880] =	vst v63  }
0xe9: {  	_ = 	snop  }
0xea: {  	[hbm4b:s17+s3] =	stream.indirect_vreg.scatter [tilespmem:s10], [sflag:$0x6], $0x80, v5, vm1, $0xb8;
	[tilespmem:$0x14880] =	vst v63  }
0xeb: {  	_ = 	snop  }
0xec: {  	[hbm4b:s18+s3] =	stream.indirect_vreg.scatter [tilespmem:s11], [sflag:$0x6], $0x80, v5, vm1, $0xb8;
	[tilespmem:$0x14880] =	vst v63  }
0xed: {  	v5 =	vld.msk [tilespmem:$0x380], $0xff;
	_ =	sdelay $0x4  }
0xee: {  	v6 =	vshll.u32 v5, $0x4  }
0xef: {  	v5 =	vand.u32 $0x7, v5;
	v6 =	vand.u32 $0xFFFFFF80, v6  }
0xf0: {  	v5 =	vor.u32 v5, v6  }
0xf1: {  	v5 =	vperm.xlane v5, v2;
	_ =	sdelay $0x1  }
0xf2: {  	v5 =	vadd.s32 v3, v5;
	_ =	sdelay $0x3  }
0xf3: {  	s7 =	simm.s32 $0x10480  }
0xf4: {  	[hbm4b:s4+s3] =	stream.indirect_vreg.scatter [tilespmem:s7], [sflag:$0x7], $0x80, v5, vm1, $0xb8;
	[tilespmem:$0x14880] =	vst v63  }
0xf5: {  	s8 =	simm.s32 $0x10C80  }
0xf6: {  	[hbm4b:s12+s3] =	stream.indirect_vreg.scatter [tilespmem:s8], [sflag:$0x7], $0x80, v5, vm1, $0xb8;
	[tilespmem:$0x14880] =	vst v63  }
0xf7: {  	s9 =	simm.s32 $0x11480  }
0xf8: {  	[hbm4b:s13+s3] =	stream.indirect_vreg.scatter [tilespmem:s9], [sflag:$0x7], $0x80, v5, vm1, $0xb8;
	[tilespmem:$0x14880] =	vst v63  }
0xf9: {  	s10 =	simm.s32 $0x11C80  }
0xfa: {  	[hbm4b:s14+s3] =	stream.indirect_vreg.scatter [tilespmem:s10], [sflag:$0x7], $0x80, v5, vm1, $0xb8;
	[tilespmem:$0x14880] =	vst v63  }
0xfb: {  	s11 =	simm.s32 $0x12480  }
0xfc: {  	[hbm4b:s15+s3] =	stream.indirect_vreg.scatter [tilespmem:s11], [sflag:$0x7], $0x80, v5, vm1, $0xb8;
	[tilespmem:$0x14880] =	vst v63  }
0xfd: {  	s20 =	simm.s32 $0x12C80  }
0xfe: {  	[hbm4b:s16+s3] =	stream.indirect_vreg.scatter [tilespmem:s20], [sflag:$0x7], $0x80, v5, vm1, $0xb8;
	[tilespmem:$0x14880] =	vst v63  }
0xff: {  	s22 =	simm.s32 $0x13480  }
0x100: {  	[hbm4b:s17+s3] =	stream.indirect_vreg.scatter [tilespmem:s22], [sflag:$0x7], $0x80, v5, vm1, $0xb8;
	[tilespmem:$0x14880] =	vst v63  }
0x101: {  	s23 =	simm.s32 $0x13C80  }
0x102: {  	[hbm4b:s18+s3] =	stream.indirect_vreg.scatter [tilespmem:s23], [sflag:$0x7], $0x80, v5, vm1, $0xb8;
	[tilespmem:$0x14880] =	vst v63  }
0x103: {  	v5 =	vld.msk [tilespmem:$0x400], $0xff;
	_ =	sdelay $0x4  }
0x104: {  	v6 =	vshll.u32 v5, $0x4  }
0x105: {  	v5 =	vand.u32 $0x7, v5;
	v6 =	vand.u32 $0xFFFFFF80, v6  }
0x106: {  	v5 =	vor.u32 v5, v6  }
0x107: {  	v5 =	vperm.xlane v5, v2;
	_ =	sdelay $0x1  }
0x108: {  	v5 =	vadd.s32 v3, v5;
	_ =	sdelay $0x4  }
0x109: {  	[hbm4b:s4+s3] =	stream.indirect_vreg.scatter [tilespmem:s7], [sflag:$0x2], $0x80, v5, vm1, $0xb8;
	[tilespmem:$0x14880] =	vst v63  }
0x10a: {  	_ = 	snop  }
0x10b: {  	[hbm4b:s12+s3] =	stream.indirect_vreg.scatter [tilespmem:s8], [sflag:$0x2], $0x80, v5, vm1, $0xb8;
	[tilespmem:$0x14880] =	vst v63  }
0x10c: {  	_ = 	snop  }
0x10d: {  	[hbm4b:s13+s3] =	stream.indirect_vreg.scatter [tilespmem:s9], [sflag:$0x2], $0x80, v5, vm1, $0xb8;
	[tilespmem:$0x14880] =	vst v63  }
0x10e: {  	_ = 	snop  }
0x10f: {  	[hbm4b:s14+s3] =	stream.indirect_vreg.scatter [tilespmem:s10], [sflag:$0x2], $0x80, v5, vm1, $0xb8;
	[tilespmem:$0x14880] =	vst v63  }
0x110: {  	_ = 	snop  }
0x111: {  	[hbm4b:s15+s3] =	stream.indirect_vreg.scatter [tilespmem:s11], [sflag:$0x2], $0x80, v5, vm1, $0xb8;
	[tilespmem:$0x14880] =	vst v63  }
0x112: {  	_ = 	snop  }
0x113: {  	[hbm4b:s16+s3] =	stream.indirect_vreg.scatter [tilespmem:s20], [sflag:$0x2], $0x80, v5, vm1, $0xb8;
	[tilespmem:$0x14880] =	vst v63  }
0x114: {  	_ = 	snop  }
0x115: {  	[hbm4b:s17+s3] =	stream.indirect_vreg.scatter [tilespmem:s22], [sflag:$0x2], $0x80, v5, vm1, $0xb8;
	[tilespmem:$0x14880] =	vst v63  }
0x116: {  	s24 =	simm.s32 $0x5  }
0x117: {  	[hbm4b:s18+s3] =	stream.indirect_vreg.scatter [tilespmem:s23], [sflag:$0x2], $0x80, v5, vm1, $0xb8;
	[tilespmem:$0x14880] =	vst v63  }
0x118: {  	_ =	swait.ge [sflag:s24], $0x8000  }
0x119: {  	[sflag:s24] =	ssyncset.done $0x0  }
0x11a: {  	s25 =	simm.s32 $0x6;
	[sflag:s24] =	ssyncadd.s32 $0xFFFF8000  }
0x11b: {  	_ =	swait.ge [sflag:s25], $0x8000  }
0x11c: {  	[sflag:s25] =	ssyncset.done $0x0  }
0x11d: {  	s19 =	sadd.s32 $0xFFFFFFFF, s19;
	s31 =	simm.s32 $0x7;
	[sflag:s25] =	ssyncadd.s32 $0xFFFF8000  }
0x11e: {  	p2 =	sne.s32 s19, $0x0;
	_ =	swait.ge [sflag:s31], $0x4000  }
.Ltmp0:
0x11f: {  	[sflag:s31] =	ssyncset.done $0x0;
	(pc) =	sbr.rel @p2 .LBB2_1-.Ltmp0, $4  }
0x120: {  	[sflag:s31] =	ssyncadd.s32 $0xFFFFC000  }
0x121: {  	_ =	swait.ge [sflag:s0], $0x4000  }
0x122: {  	[sflag:s0] =	ssyncset.done $0x0  }
0x123: {  	[sflag:s0] =	ssyncadd.s32 $0xFFFFC000  }
0x124: {  	_ =	sfence.sel $0x180000  }
0x125: {  	[bflag:$0x0] =	sbarrier.arrive $0xFFFF  }
0x126: {  	_ =	strace $0x90000047  }
0x127: {  	[bflag:$0x2] =	sbarrier.arrive $0xFFFF  }
0x128: {  	s0 =	rddreg [dreg:$0x4]  }
0x129: {  	s0 =	sadd.s32 @!p0 $0x100000, s0  }
0x12a: {  	[sflag:s0] =	ssyncadd.tile.s32 @!p0 $0x1;
	_ =	shalt  }
.Lfunc_end2:
_tile_overlayer_lowered:
.L_overlay_start_2:
0x12b: {  	(tag) =	ssettag $0x2  }
0x12c: {  	s0 =	rddreg [dreg:$0x0];
	s2 =	stileid.u32  }
0x12d: {  	s1 =	rddreg [dreg:$0x1];
	p0 =	sne.s32 s2, $0x0  }
0x12e: {  	s3 =	rddreg [dreg:$0x2];
	[bflag:$0x3] =	sbarrier.arrive $0xFFFF;
	s2 =	simm.s32 @!p0 $0x1C08  }
0x12f: {  	[timem:s3], [sflag:s2] =	dma.local @!p0 [hbm:s0], s1  }
0x130: {  	s0 =	simm.s32 @!p0 $0x8  }
0x131: {  	_ =	swait.ge @!p0 [sflag:s0], s1  }
0x132: {  	s1 =	ssub.s32 @!p0 $0x0, s1;
	[sflag:s0] =	ssyncset.done @!p0 $0x0  }
0x133: {  	[sflag:s0] =	ssyncadd.s32 @!p0 s1  }
0x134: {  	[bflag:$0x3] =	sbarrier.arrive $0xFFFF  }
0x135: {  	_ =	shalt  }

</sc_bundles>
